<compile_context>
chip_gen: v7x
topology: tpu7x:2x2x1
jax: 0.10.2.dev20260603
libtpu: 0.0.44.dev20260713+nightly
codegen_flags: <defaults>
</compile_context>

<pallas_src>
import functools

import jax
import jax.numpy as jnp
from jax import lax
from jax.experimental import pallas as pl
from jax.experimental.pallas import tpu as pltpu
from jax.experimental.pallas import tpu_sc as plsc

BATCH = 16384
D = 128
NUM_EMB = 201
INDEX_OFFSET = 100
NC = 2
NS = 16
NW = NC * NS
CHUNKS = (32, 96, 128, 128, 96, 32)
B_PER_W = sum(CHUNKS)
OFFS = tuple(sum(CHUNKS[:i]) for i in range(len(CHUNKS)))


def kernel(x, table):
    mesh = plsc.VectorSubcoreMesh(core_axis_name="c", subcore_axis_name="s")

    @functools.partial(
        pl.kernel,
        mesh=mesh,
        out_type=jax.ShapeDtypeStruct((BATCH, D), jnp.float32),
        scratch_types=[
            pltpu.VMEM((B_PER_W,), jnp.int32),
            pltpu.VMEM_SHARED((NUM_EMB, D), jnp.float32),
        ]
        + [pltpu.VMEM((c, D), jnp.float32) for c in CHUNKS]
        + [pltpu.SemaphoreType.DMA] * len(CHUNKS)
        + [pltpu.SemaphoreType.DMA],
    )
    def emb(x_hbm, table_hbm, out_hbm, idx_v, tab_sp, *rest):
        nch = len(CHUNKS)
        rows_bufs = rest[:nch]
        gsems, wsem = rest[nch:2 * nch], rest[2 * nch]
        sid = lax.axis_index("s")
        wid = sid * NC + lax.axis_index("c")
        base = wid * B_PER_W

        @pl.when(sid == 0)
        def _():
            pltpu.sync_copy(table_hbm, tab_sp)

        pltpu.sync_copy(x_hbm.at[pl.ds(base, B_PER_W)], idx_v)

        def add_offset(j, carry):
            s = pl.ds(j * 16, 16)
            idx_v[s] = idx_v[s] + INDEX_OFFSET
            return carry

        lax.fori_loop(0, B_PER_W // 16, add_offset, 0)
        plsc.subcore_barrier()
        gathers = [
            pltpu.async_copy(
                tab_sp.at[idx_v.at[pl.ds(OFFS[i], CHUNKS[i])]],
                rows_bufs[i],
                gsems[i],
            )
            for i in range(nch)
        ]
        writes = []
        for i in range(nch):
            gathers[i].wait()
            writes.append(
                pltpu.async_copy(
                    rows_bufs[i],
                    out_hbm.at[pl.ds(base + OFFS[i], CHUNKS[i])],
                    wsem,
                )
            )
        for w in writes:
            w.wait()

    return emb(x, table)

# --- scband reference (transcript-rebuilt; emitter-appended) ---
"""Pipeline reference for scband-chg-spin-embedding-62792421868247 (READ-ONLY COPY).

The authoritative reference and input builder live on the scoring server;
editing this copy changes nothing except your own understanding.
"""

import jax, jax.numpy as jnp
import numpy as np

BATCH = 16384
EMB_SIZE = 128
NUM_EMB = 201  # charge target: indices offset by 100
INDEX_OFFSET = 100


def setup_inputs(seed: int = 0) -> dict:
    key = jax.random.key(seed)
    k1, k2 = jax.random.split(key)
    # x: integer charges in [0, 100); after +100 offset these index rows [100, 200)
    x = jax.random.randint(k1, (BATCH,), 0, 100, dtype=jnp.int32)
    # learned embedding table (nn.Embedding(201, 128)), ~N(0,1) init like torch default
    table = jax.random.normal(k2, (NUM_EMB, EMB_SIZE), dtype=jnp.float32)
    return {"x": x, "table": table}


def reference(x, table):
    # ChgSpinEmbedding with embedding_type='rand_emb', embedding_target='charge':
    #   indices = x + index_offset; return rand_emb(indices)
    indices = x + INDEX_OFFSET
    return jnp.take(table, indices, axis=0)

if __name__ == "__main__":
    import jax
    _d = setup_inputs()
    print(jax.jit(kernel)(*tuple(_d.values())))

</pallas_src>

<mosaic_0001>
#map = affine_map<(d0, d1) -> (0)>
#map1 = affine_map<(d0, d1) -> (0, 0)>
module attributes {stable_mosaic.version = 14 : i64} {
  func.func @emb(%arg0: i32, %arg1: i32, %arg2: memref<16384xi32, #tpu.memory_space<hbm>>, %arg3: memref<201x128xf32, #tpu.memory_space<hbm>>, %arg4: memref<16384x128xf32, #tpu.memory_space<hbm>>, %arg5: memref<512xi32, #tpu.memory_space<vmem>>, %arg6: memref<201x128xf32, #tpu.memory_space<vmem_shared>>, %arg7: memref<32x128xf32, #tpu.memory_space<vmem>>, %arg8: memref<96x128xf32, #tpu.memory_space<vmem>>, %arg9: memref<128x128xf32, #tpu.memory_space<vmem>>, %arg10: memref<128x128xf32, #tpu.memory_space<vmem>>, %arg11: memref<96x128xf32, #tpu.memory_space<vmem>>, %arg12: memref<32x128xf32, #tpu.memory_space<vmem>>, %arg13: memref<!tpu.dma_semaphore, #tpu.memory_space<semaphore_mem>>, %arg14: memref<!tpu.dma_semaphore, #tpu.memory_space<semaphore_mem>>, %arg15: memref<!tpu.dma_semaphore, #tpu.memory_space<semaphore_mem>>, %arg16: memref<!tpu.dma_semaphore, #tpu.memory_space<semaphore_mem>>, %arg17: memref<!tpu.dma_semaphore, #tpu.memory_space<semaphore_mem>>, %arg18: memref<!tpu.dma_semaphore, #tpu.memory_space<semaphore_mem>>, %arg19: memref<!tpu.dma_semaphore, #tpu.memory_space<semaphore_mem>>) attributes {dimension_semantics = [#tpu.dimension_semantics<core_parallel>, #tpu.dimension_semantics<subcore_parallel>], iteration_bounds = array<i64: 2, 16>, scalar_prefetch = 0 : i64, scratch_operands = 15 : i64, tpu.core_type = #tpu.core_type<sc_vector_subcore>, window_params = [{transform_indices = #map}, {transform_indices = #map1}, {transform_indices = #map1}]} {
    %mul3A = arith.constant 2 : i32
    %mul3A_0 = arith.muli %arg1, %mul3A : i32
    %add3A = arith.addi %mul3A_0, %arg0 : i32
    %mul3A_1 = arith.constant 512 : i32
    %mul3A_2 = arith.muli %add3A, %mul3A_1 : i32
    %eq3A = arith.constant 0 : i32
    %eq3A_3 = arith.cmpi eq, %arg1, %eq3A : i32
    %convert_element_type3A = arith.extui %eq3A_3 : i1 to i32
    %cond3A = arith.constant 0 : i32
    %cond3A_4 = arith.cmpi ne, %convert_element_type3A, %cond3A : i32
    scf.if %cond3A_4 {
      "tpu.region"() ({
        %run_scoped3A = tpu.sem_alloc : memref<!tpu.dma_semaphore, #tpu.memory_space<semaphore_mem>>
        tpu.enqueue_dma source(%arg3 : memref<201x128xf32, #tpu.memory_space<hbm>>) target(%arg6 : memref<201x128xf32, #tpu.memory_space<vmem_shared>>) target_semaphore(%run_scoped3A : memref<!tpu.dma_semaphore, #tpu.memory_space<semaphore_mem>>)
        tpu.wait_dma2 semaphore(%run_scoped3A : memref<!tpu.dma_semaphore, #tpu.memory_space<semaphore_mem>>) src(%arg3 : memref<201x128xf32, #tpu.memory_space<hbm>>) dst(%arg6 : memref<201x128xf32, #tpu.memory_space<vmem_shared>>)
        tpu.yield
      }) : () -> ()
    } else {
    }
    "tpu.region"() ({
      %run_scoped3A = tpu.sem_alloc : memref<!tpu.dma_semaphore, #tpu.memory_space<semaphore_mem>>
      %dma_start3A_128 = tpu.memref_slice %arg2[%mul3A_2] : memref<16384xi32, #tpu.memory_space<hbm>> -> memref<512xi32, #tpu.memory_space<hbm>>
      %dma_start3A_129 = tpu.memref_slice %arg2[%mul3A_2] : memref<16384xi32, #tpu.memory_space<hbm>> -> memref<512xi32, #tpu.memory_space<hbm>>
      tpu.enqueue_dma source(%dma_start3A_129 : memref<512xi32, #tpu.memory_space<hbm>>) target(%arg5 : memref<512xi32, #tpu.memory_space<vmem>>) target_semaphore(%run_scoped3A : memref<!tpu.dma_semaphore, #tpu.memory_space<semaphore_mem>>)
      %dma_wait3A_130 = tpu.memref_slice %arg2[%mul3A_2] : memref<16384xi32, #tpu.memory_space<hbm>> -> memref<512xi32, #tpu.memory_space<hbm>>
      %dma_wait3A_131 = tpu.memref_slice %arg2[%mul3A_2] : memref<16384xi32, #tpu.memory_space<hbm>> -> memref<512xi32, #tpu.memory_space<hbm>>
      tpu.wait_dma2 semaphore(%run_scoped3A : memref<!tpu.dma_semaphore, #tpu.memory_space<semaphore_mem>>) src(%dma_wait3A_131 : memref<512xi32, #tpu.memory_space<hbm>>) dst(%arg5 : memref<512xi32, #tpu.memory_space<vmem>>)
      tpu.yield
    }) : () -> ()
    %scan3A = arith.constant 0 : i32
    %scan3A_5 = arith.constant 0 : i32
    %scan3A_6 = arith.constant 32 : i32
    %scan3A_7 = arith.addi %scan3A_5, %scan3A_6 : i32
    %scan3A_8 = arith.constant 1 : i32
    scf.for %scan3A_128 = %scan3A_5 to %scan3A_7 step %scan3A_8  : i32 {
      %mul3A_129 = arith.constant 16 : i32
      %mul3A_130 = arith.muli %scan3A_128, %mul3A_129 : i32
      %get3A = arith.index_cast %mul3A_130 : i32 to index
      %get3A_131 = tpu.vector_load %arg5[%get3A] {strides = array<i32>} : memref<512xi32, #tpu.memory_space<vmem>>, vector<16xi32>,
      %get3A_132 = vector.shape_cast %get3A_131 : vector<16xi32> to vector<16xi32>
      %add3A_133 = arith.constant 100 : i32
      %add3A_134 = vector.broadcast %add3A_133 : i32 to vector<16xi32>
      %add3A_135 = arith.addi %get3A_132, %add3A_134 : vector<16xi32>
      %swap3A = arith.index_cast %mul3A_130 : i32 to index
      %swap3A_136 = tpu.vector_load %arg5[%swap3A] {strides = array<i32>} : memref<512xi32, #tpu.memory_space<vmem>>, vector<16xi32>,
      %swap3A_137 = vector.shape_cast %swap3A_136 : vector<16xi32> to vector<16xi32>
      %swap3A_138 = vector.shape_cast %add3A_135 : vector<16xi32> to vector<16xi32>
      tpu.vector_store %arg5[%swap3A], %swap3A_138 {strides = array<i32>} : memref<512xi32, #tpu.memory_space<vmem>>, vector<16xi32>,
    }
    %scan3A_9 = arith.constant 32 : i32
    %barrier3A = arith.constant 0 : index
    tpu.barrier barrier_id(%barrier3A)
    %dma_start3A = arith.constant 0 : i32
    %dma_start3A_10 = tpu.memref_slice %arg5[%dma_start3A] : memref<512xi32, #tpu.memory_space<vmem>> -> memref<32xi32, #tpu.memory_space<vmem>>
    %dma_start3A_11 = arith.constant 0 : i32
    %dma_start3A_12 = arith.constant 0 : i32
    %dma_start3A_13 = tpu.memref_slice %arg6[%dma_start3A_11, %dma_start3A_12] : memref<201x128xf32, #tpu.memory_space<vmem_shared>> -> memref<201x128xf32, #tpu.memory_space<vmem_shared>>
    tpu.enqueue_indirect_dma source(%dma_start3A_13 : memref<201x128xf32, #tpu.memory_space<vmem_shared>>) target(%arg7 : memref<32x128xf32, #tpu.memory_space<vmem>>) offsets(%dma_start3A_10 : memref<32xi32, #tpu.memory_space<vmem>>) semaphore(%arg13 : memref<!tpu.dma_semaphore, #tpu.memory_space<semaphore_mem>>)
    %dma_start3A_14 = arith.constant 32 : i32
    %dma_start3A_15 = tpu.memref_slice %arg5[%dma_start3A_14] : memref<512xi32, #tpu.memory_space<vmem>> -> memref<96xi32, #tpu.memory_space<vmem>>
    %dma_start3A_16 = arith.constant 0 : i32
    %dma_start3A_17 = arith.constant 0 : i32
    %dma_start3A_18 = tpu.memref_slice %arg6[%dma_start3A_16, %dma_start3A_17] : memref<201x128xf32, #tpu.memory_space<vmem_shared>> -> memref<201x128xf32, #tpu.memory_space<vmem_shared>>
    tpu.enqueue_indirect_dma source(%dma_start3A_18 : memref<201x128xf32, #tpu.memory_space<vmem_shared>>) target(%arg8 : memref<96x128xf32, #tpu.memory_space<vmem>>) offsets(%dma_start3A_15 : memref<96xi32, #tpu.memory_space<vmem>>) semaphore(%arg14 : memref<!tpu.dma_semaphore, #tpu.memory_space<semaphore_mem>>)
    %dma_start3A_19 = arith.constant 128 : i32
    %dma_start3A_20 = tpu.memref_slice %arg5[%dma_start3A_19] : memref<512xi32, #tpu.memory_space<vmem>> -> memref<128xi32, #tpu.memory_space<vmem>>
    %dma_start3A_21 = arith.constant 0 : i32
    %dma_start3A_22 = arith.constant 0 : i32
    %dma_start3A_23 = tpu.memref_slice %arg6[%dma_start3A_21, %dma_start3A_22] : memref<201x128xf32, #tpu.memory_space<vmem_shared>> -> memref<201x128xf32, #tpu.memory_space<vmem_shared>>
    tpu.enqueue_indirect_dma source(%dma_start3A_23 : memref<201x128xf32, #tpu.memory_space<vmem_shared>>) target(%arg9 : memref<128x128xf32, #tpu.memory_space<vmem>>) offsets(%dma_start3A_20 : memref<128xi32, #tpu.memory_space<vmem>>) semaphore(%arg15 : memref<!tpu.dma_semaphore, #tpu.memory_space<semaphore_mem>>)
    %dma_start3A_24 = arith.constant 256 : i32
    %dma_start3A_25 = tpu.memref_slice %arg5[%dma_start3A_24] : memref<512xi32, #tpu.memory_space<vmem>> -> memref<128xi32, #tpu.memory_space<vmem>>
    %dma_start3A_26 = arith.constant 0 : i32
    %dma_start3A_27 = arith.constant 0 : i32
    %dma_start3A_28 = tpu.memref_slice %arg6[%dma_start3A_26, %dma_start3A_27] : memref<201x128xf32, #tpu.memory_space<vmem_shared>> -> memref<201x128xf32, #tpu.memory_space<vmem_shared>>
    tpu.enqueue_indirect_dma source(%dma_start3A_28 : memref<201x128xf32, #tpu.memory_space<vmem_shared>>) target(%arg10 : memref<128x128xf32, #tpu.memory_space<vmem>>) offsets(%dma_start3A_25 : memref<128xi32, #tpu.memory_space<vmem>>) semaphore(%arg16 : memref<!tpu.dma_semaphore, #tpu.memory_space<semaphore_mem>>)
    %dma_start3A_29 = arith.constant 384 : i32
    %dma_start3A_30 = tpu.memref_slice %arg5[%dma_start3A_29] : memref<512xi32, #tpu.memory_space<vmem>> -> memref<96xi32, #tpu.memory_space<vmem>>
    %dma_start3A_31 = arith.constant 0 : i32
    %dma_start3A_32 = arith.constant 0 : i32
    %dma_start3A_33 = tpu.memref_slice %arg6[%dma_start3A_31, %dma_start3A_32] : memref<201x128xf32, #tpu.memory_space<vmem_shared>> -> memref<201x128xf32, #tpu.memory_space<vmem_shared>>
    tpu.enqueue_indirect_dma source(%dma_start3A_33 : memref<201x128xf32, #tpu.memory_space<vmem_shared>>) target(%arg11 : memref<96x128xf32, #tpu.memory_space<vmem>>) offsets(%dma_start3A_30 : memref<96xi32, #tpu.memory_space<vmem>>) semaphore(%arg17 : memref<!tpu.dma_semaphore, #tpu.memory_space<semaphore_mem>>)
    %dma_start3A_34 = arith.constant 480 : i32
    %dma_start3A_35 = tpu.memref_slice %arg5[%dma_start3A_34] : memref<512xi32, #tpu.memory_space<vmem>> -> memref<32xi32, #tpu.memory_space<vmem>>
    %dma_start3A_36 = arith.constant 0 : i32
    %dma_start3A_37 = arith.constant 0 : i32
    %dma_start3A_38 = tpu.memref_slice %arg6[%dma_start3A_36, %dma_start3A_37] : memref<201x128xf32, #tpu.memory_space<vmem_shared>> -> memref<201x128xf32, #tpu.memory_space<vmem_shared>>
    tpu.enqueue_indirect_dma source(%dma_start3A_38 : memref<201x128xf32, #tpu.memory_space<vmem_shared>>) target(%arg12 : memref<32x128xf32, #tpu.memory_space<vmem>>) offsets(%dma_start3A_35 : memref<32xi32, #tpu.memory_space<vmem>>) semaphore(%arg18 : memref<!tpu.dma_semaphore, #tpu.memory_space<semaphore_mem>>)
    %dma_wait3A = arith.constant 0 : i32
    %dma_wait3A_39 = tpu.memref_slice %arg5[%dma_wait3A] : memref<512xi32, #tpu.memory_space<vmem>> -> memref<32xi32, #tpu.memory_space<vmem>>
    %dma_wait3A_40 = arith.constant 0 : i32
    %dma_wait3A_41 = arith.constant 0 : i32
    %dma_wait3A_42 = tpu.memref_slice %arg6[%dma_wait3A_40, %dma_wait3A_41] : memref<201x128xf32, #tpu.memory_space<vmem_shared>> -> memref<201x128xf32, #tpu.memory_space<vmem_shared>>
    tpu.wait_indirect_dma semaphore(%arg13 : memref<!tpu.dma_semaphore, #tpu.memory_space<semaphore_mem>>) src(%dma_wait3A_42 : memref<201x128xf32, #tpu.memory_space<vmem_shared>>) dst(%arg7 : memref<32x128xf32, #tpu.memory_space<vmem>>)
    %add3A_43 = arith.constant 0 : i32
    %add3A_44 = arith.addi %mul3A_2, %add3A_43 : i32
    %dma_start3A_45 = arith.constant 0 : i32
    %dma_start3A_46 = tpu.memref_slice %arg4[%add3A_44, %dma_start3A_45] : memref<16384x128xf32, #tpu.memory_space<hbm>> -> memref<32x128xf32, #tpu.memory_space<hbm>>
    %dma_start3A_47 = arith.constant 0 : i32
    %dma_start3A_48 = tpu.memref_slice %arg4[%add3A_44, %dma_start3A_47] : memref<16384x128xf32, #tpu.memory_space<hbm>> -> memref<32x128xf32, #tpu.memory_space<hbm>>
    tpu.enqueue_dma source(%arg7 : memref<32x128xf32, #tpu.memory_space<vmem>>) target(%dma_start3A_48 : memref<32x128xf32, #tpu.memory_space<hbm>>) target_semaphore(%arg19 : memref<!tpu.dma_semaphore, #tpu.memory_space<semaphore_mem>>)
    %dma_wait3A_49 = arith.constant 32 : i32
    %dma_wait3A_50 = tpu.memref_slice %arg5[%dma_wait3A_49] : memref<512xi32, #tpu.memory_space<vmem>> -> memref<96xi32, #tpu.memory_space<vmem>>
    %dma_wait3A_51 = arith.constant 0 : i32
    %dma_wait3A_52 = arith.constant 0 : i32
    %dma_wait3A_53 = tpu.memref_slice %arg6[%dma_wait3A_51, %dma_wait3A_52] : memref<201x128xf32, #tpu.memory_space<vmem_shared>> -> memref<201x128xf32, #tpu.memory_space<vmem_shared>>
    tpu.wait_indirect_dma semaphore(%arg14 : memref<!tpu.dma_semaphore, #tpu.memory_space<semaphore_mem>>) src(%dma_wait3A_53 : memref<201x128xf32, #tpu.memory_space<vmem_shared>>) dst(%arg8 : memref<96x128xf32, #tpu.memory_space<vmem>>)
    %add3A_54 = arith.constant 32 : i32
    %add3A_55 = arith.addi %mul3A_2, %add3A_54 : i32
    %dma_start3A_56 = arith.constant 0 : i32
    %dma_start3A_57 = tpu.memref_slice %arg4[%add3A_55, %dma_start3A_56] : memref<16384x128xf32, #tpu.memory_space<hbm>> -> memref<96x128xf32, #tpu.memory_space<hbm>>
    %dma_start3A_58 = arith.constant 0 : i32
    %dma_start3A_59 = tpu.memref_slice %arg4[%add3A_55, %dma_start3A_58] : memref<16384x128xf32, #tpu.memory_space<hbm>> -> memref<96x128xf32, #tpu.memory_space<hbm>>
    tpu.enqueue_dma source(%arg8 : memref<96x128xf32, #tpu.memory_space<vmem>>) target(%dma_start3A_59 : memref<96x128xf32, #tpu.memory_space<hbm>>) target_semaphore(%arg19 : memref<!tpu.dma_semaphore, #tpu.memory_space<semaphore_mem>>)
    %dma_wait3A_60 = arith.constant 128 : i32
    %dma_wait3A_61 = tpu.memref_slice %arg5[%dma_wait3A_60] : memref<512xi32, #tpu.memory_space<vmem>> -> memref<128xi32, #tpu.memory_space<vmem>>
    %dma_wait3A_62 = arith.constant 0 : i32
    %dma_wait3A_63 = arith.constant 0 : i32
    %dma_wait3A_64 = tpu.memref_slice %arg6[%dma_wait3A_62, %dma_wait3A_63] : memref<201x128xf32, #tpu.memory_space<vmem_shared>> -> memref<201x128xf32, #tpu.memory_space<vmem_shared>>
    tpu.wait_indirect_dma semaphore(%arg15 : memref<!tpu.dma_semaphore, #tpu.memory_space<semaphore_mem>>) src(%dma_wait3A_64 : memref<201x128xf32, #tpu.memory_space<vmem_shared>>) dst(%arg9 : memref<128x128xf32, #tpu.memory_space<vmem>>)
    %add3A_65 = arith.constant 128 : i32
    %add3A_66 = arith.addi %mul3A_2, %add3A_65 : i32
    %dma_start3A_67 = arith.constant 0 : i32
    %dma_start3A_68 = tpu.memref_slice %arg4[%add3A_66, %dma_start3A_67] : memref<16384x128xf32, #tpu.memory_space<hbm>> -> memref<128x128xf32, #tpu.memory_space<hbm>>
    %dma_start3A_69 = arith.constant 0 : i32
    %dma_start3A_70 = tpu.memref_slice %arg4[%add3A_66, %dma_start3A_69] : memref<16384x128xf32, #tpu.memory_space<hbm>> -> memref<128x128xf32, #tpu.memory_space<hbm>>
    tpu.enqueue_dma source(%arg9 : memref<128x128xf32, #tpu.memory_space<vmem>>) target(%dma_start3A_70 : memref<128x128xf32, #tpu.memory_space<hbm>>) target_semaphore(%arg19 : memref<!tpu.dma_semaphore, #tpu.memory_space<semaphore_mem>>)
    %dma_wait3A_71 = arith.constant 256 : i32
    %dma_wait3A_72 = tpu.memref_slice %arg5[%dma_wait3A_71] : memref<512xi32, #tpu.memory_space<vmem>> -> memref<128xi32, #tpu.memory_space<vmem>>
    %dma_wait3A_73 = arith.constant 0 : i32
    %dma_wait3A_74 = arith.constant 0 : i32
    %dma_wait3A_75 = tpu.memref_slice %arg6[%dma_wait3A_73, %dma_wait3A_74] : memref<201x128xf32, #tpu.memory_space<vmem_shared>> -> memref<201x128xf32, #tpu.memory_space<vmem_shared>>
    tpu.wait_indirect_dma semaphore(%arg16 : memref<!tpu.dma_semaphore, #tpu.memory_space<semaphore_mem>>) src(%dma_wait3A_75 : memref<201x128xf32, #tpu.memory_space<vmem_shared>>) dst(%arg10 : memref<128x128xf32, #tpu.memory_space<vmem>>)
    %add3A_76 = arith.constant 256 : i32
    %add3A_77 = arith.addi %mul3A_2, %add3A_76 : i32
    %dma_start3A_78 = arith.constant 0 : i32
    %dma_start3A_79 = tpu.memref_slice %arg4[%add3A_77, %dma_start3A_78] : memref<16384x128xf32, #tpu.memory_space<hbm>> -> memref<128x128xf32, #tpu.memory_space<hbm>>
    %dma_start3A_80 = arith.constant 0 : i32
    %dma_start3A_81 = tpu.memref_slice %arg4[%add3A_77, %dma_start3A_80] : memref<16384x128xf32, #tpu.memory_space<hbm>> -> memref<128x128xf32, #tpu.memory_space<hbm>>
    tpu.enqueue_dma source(%arg10 : memref<128x128xf32, #tpu.memory_space<vmem>>) target(%dma_start3A_81 : memref<128x128xf32, #tpu.memory_space<hbm>>) target_semaphore(%arg19 : memref<!tpu.dma_semaphore, #tpu.memory_space<semaphore_mem>>)
    %dma_wait3A_82 = arith.constant 384 : i32
    %dma_wait3A_83 = tpu.memref_slice %arg5[%dma_wait3A_82] : memref<512xi32, #tpu.memory_space<vmem>> -> memref<96xi32, #tpu.memory_space<vmem>>
    %dma_wait3A_84 = arith.constant 0 : i32
    %dma_wait3A_85 = arith.constant 0 : i32
    %dma_wait3A_86 = tpu.memref_slice %arg6[%dma_wait3A_84, %dma_wait3A_85] : memref<201x128xf32, #tpu.memory_space<vmem_shared>> -> memref<201x128xf32, #tpu.memory_space<vmem_shared>>
    tpu.wait_indirect_dma semaphore(%arg17 : memref<!tpu.dma_semaphore, #tpu.memory_space<semaphore_mem>>) src(%dma_wait3A_86 : memref<201x128xf32, #tpu.memory_space<vmem_shared>>) dst(%arg11 : memref<96x128xf32, #tpu.memory_space<vmem>>)
    %add3A_87 = arith.constant 384 : i32
    %add3A_88 = arith.addi %mul3A_2, %add3A_87 : i32
    %dma_start3A_89 = arith.constant 0 : i32
    %dma_start3A_90 = tpu.memref_slice %arg4[%add3A_88, %dma_start3A_89] : memref<16384x128xf32, #tpu.memory_space<hbm>> -> memref<96x128xf32, #tpu.memory_space<hbm>>
    %dma_start3A_91 = arith.constant 0 : i32
    %dma_start3A_92 = tpu.memref_slice %arg4[%add3A_88, %dma_start3A_91] : memref<16384x128xf32, #tpu.memory_space<hbm>> -> memref<96x128xf32, #tpu.memory_space<hbm>>
    tpu.enqueue_dma source(%arg11 : memref<96x128xf32, #tpu.memory_space<vmem>>) target(%dma_start3A_92 : memref<96x128xf32, #tpu.memory_space<hbm>>) target_semaphore(%arg19 : memref<!tpu.dma_semaphore, #tpu.memory_space<semaphore_mem>>)
    %dma_wait3A_93 = arith.constant 480 : i32
    %dma_wait3A_94 = tpu.memref_slice %arg5[%dma_wait3A_93] : memref<512xi32, #tpu.memory_space<vmem>> -> memref<32xi32, #tpu.memory_space<vmem>>
    %dma_wait3A_95 = arith.constant 0 : i32
    %dma_wait3A_96 = arith.constant 0 : i32
    %dma_wait3A_97 = tpu.memref_slice %arg6[%dma_wait3A_95, %dma_wait3A_96] : memref<201x128xf32, #tpu.memory_space<vmem_shared>> -> memref<201x128xf32, #tpu.memory_space<vmem_shared>>
    tpu.wait_indirect_dma semaphore(%arg18 : memref<!tpu.dma_semaphore, #tpu.memory_space<semaphore_mem>>) src(%dma_wait3A_97 : memref<201x128xf32, #tpu.memory_space<vmem_shared>>) dst(%arg12 : memref<32x128xf32, #tpu.memory_space<vmem>>)
    %add3A_98 = arith.constant 480 : i32
    %add3A_99 = arith.addi %mul3A_2, %add3A_98 : i32
    %dma_start3A_100 = arith.constant 0 : i32
    %dma_start3A_101 = tpu.memref_slice %arg4[%add3A_99, %dma_start3A_100] : memref<16384x128xf32, #tpu.memory_space<hbm>> -> memref<32x128xf32, #tpu.memory_space<hbm>>
    %dma_start3A_102 = arith.constant 0 : i32
    %dma_start3A_103 = tpu.memref_slice %arg4[%add3A_99, %dma_start3A_102] : memref<16384x128xf32, #tpu.memory_space<hbm>> -> memref<32x128xf32, #tpu.memory_space<hbm>>
    tpu.enqueue_dma source(%arg12 : memref<32x128xf32, #tpu.memory_space<vmem>>) target(%dma_start3A_103 : memref<32x128xf32, #tpu.memory_space<hbm>>) target_semaphore(%arg19 : memref<!tpu.dma_semaphore, #tpu.memory_space<semaphore_mem>>)
    %dma_wait3A_104 = arith.constant 0 : i32
    %dma_wait3A_105 = tpu.memref_slice %arg4[%add3A_44, %dma_wait3A_104] : memref<16384x128xf32, #tpu.memory_space<hbm>> -> memref<32x128xf32, #tpu.memory_space<hbm>>
    %dma_wait3A_106 = arith.constant 0 : i32
    %dma_wait3A_107 = tpu.memref_slice %arg4[%add3A_44, %dma_wait3A_106] : memref<16384x128xf32, #tpu.memory_space<hbm>> -> memref<32x128xf32, #tpu.memory_space<hbm>>
    tpu.wait_dma2 semaphore(%arg19 : memref<!tpu.dma_semaphore, #tpu.memory_space<semaphore_mem>>) src(%arg7 : memref<32x128xf32, #tpu.memory_space<vmem>>) dst(%dma_wait3A_107 : memref<32x128xf32, #tpu.memory_space<hbm>>)
    %dma_wait3A_108 = arith.constant 0 : i32
    %dma_wait3A_109 = tpu.memref_slice %arg4[%add3A_55, %dma_wait3A_108] : memref<16384x128xf32, #tpu.memory_space<hbm>> -> memref<96x128xf32, #tpu.memory_space<hbm>>
    %dma_wait3A_110 = arith.constant 0 : i32
    %dma_wait3A_111 = tpu.memref_slice %arg4[%add3A_55, %dma_wait3A_110] : memref<16384x128xf32, #tpu.memory_space<hbm>> -> memref<96x128xf32, #tpu.memory_space<hbm>>
    tpu.wait_dma2 semaphore(%arg19 : memref<!tpu.dma_semaphore, #tpu.memory_space<semaphore_mem>>) src(%arg8 : memref<96x128xf32, #tpu.memory_space<vmem>>) dst(%dma_wait3A_111 : memref<96x128xf32, #tpu.memory_space<hbm>>)
    %dma_wait3A_112 = arith.constant 0 : i32
    %dma_wait3A_113 = tpu.memref_slice %arg4[%add3A_66, %dma_wait3A_112] : memref<16384x128xf32, #tpu.memory_space<hbm>> -> memref<128x128xf32, #tpu.memory_space<hbm>>
    %dma_wait3A_114 = arith.constant 0 : i32
    %dma_wait3A_115 = tpu.memref_slice %arg4[%add3A_66, %dma_wait3A_114] : memref<16384x128xf32, #tpu.memory_space<hbm>> -> memref<128x128xf32, #tpu.memory_space<hbm>>
    tpu.wait_dma2 semaphore(%arg19 : memref<!tpu.dma_semaphore, #tpu.memory_space<semaphore_mem>>) src(%arg9 : memref<128x128xf32, #tpu.memory_space<vmem>>) dst(%dma_wait3A_115 : memref<128x128xf32, #tpu.memory_space<hbm>>)
    %dma_wait3A_116 = arith.constant 0 : i32
    %dma_wait3A_117 = tpu.memref_slice %arg4[%add3A_77, %dma_wait3A_116] : memref<16384x128xf32, #tpu.memory_space<hbm>> -> memref<128x128xf32, #tpu.memory_space<hbm>>
    %dma_wait3A_118 = arith.constant 0 : i32
    %dma_wait3A_119 = tpu.memref_slice %arg4[%add3A_77, %dma_wait3A_118] : memref<16384x128xf32, #tpu.memory_space<hbm>> -> memref<128x128xf32, #tpu.memory_space<hbm>>
    tpu.wait_dma2 semaphore(%arg19 : memref<!tpu.dma_semaphore, #tpu.memory_space<semaphore_mem>>) src(%arg10 : memref<128x128xf32, #tpu.memory_space<vmem>>) dst(%dma_wait3A_119 : memref<128x128xf32, #tpu.memory_space<hbm>>)
    %dma_wait3A_120 = arith.constant 0 : i32
    %dma_wait3A_121 = tpu.memref_slice %arg4[%add3A_88, %dma_wait3A_120] : memref<16384x128xf32, #tpu.memory_space<hbm>> -> memref<96x128xf32, #tpu.memory_space<hbm>>
    %dma_wait3A_122 = arith.constant 0 : i32
    %dma_wait3A_123 = tpu.memref_slice %arg4[%add3A_88, %dma_wait3A_122] : memref<16384x128xf32, #tpu.memory_space<hbm>> -> memref<96x128xf32, #tpu.memory_space<hbm>>
    tpu.wait_dma2 semaphore(%arg19 : memref<!tpu.dma_semaphore, #tpu.memory_space<semaphore_mem>>) src(%arg11 : memref<96x128xf32, #tpu.memory_space<vmem>>) dst(%dma_wait3A_123 : memref<96x128xf32, #tpu.memory_space<hbm>>)
    %dma_wait3A_124 = arith.constant 0 : i32
    %dma_wait3A_125 = tpu.memref_slice %arg4[%add3A_99, %dma_wait3A_124] : memref<16384x128xf32, #tpu.memory_space<hbm>> -> memref<32x128xf32, #tpu.memory_space<hbm>>
    %dma_wait3A_126 = arith.constant 0 : i32
    %dma_wait3A_127 = tpu.memref_slice %arg4[%add3A_99, %dma_wait3A_126] : memref<16384x128xf32, #tpu.memory_space<hbm>> -> memref<32x128xf32, #tpu.memory_space<hbm>>
    tpu.wait_dma2 semaphore(%arg19 : memref<!tpu.dma_semaphore, #tpu.memory_space<semaphore_mem>>) src(%arg12 : memref<32x128xf32, #tpu.memory_space<vmem>>) dst(%dma_wait3A_127 : memref<32x128xf32, #tpu.memory_space<hbm>>)
    return
  }
}

</mosaic_0001>

<sc_bundles>
// kernel: kernel.3.cloned.1.call-start
scs
__scs_entry_jumppad:
0x0: {  	(pc) =	sbr.rel $0x88, $3  }
0x1: {  	(tag) =	ssettag $0x0;
	lr =	simm.s32 $0x1  }
0x2: {  	[smem:$0x3F9F] =	sst lr;
	_ =	strace $0xD0000000  }
0x3: {  	_ = 	snop  }
0x4: {  	_ = 	snop  }
0x5: {  	_ = 	snop  }
0x6: {  	_ = 	snop  }
0x7: {  	_ = 	snop  }
__scs_overlays_trampoline_lowered:
0x8: {  	[smem:$0x3FAE] =	sst s0  }
0x9: {  	[smem:$0x3FAF] =	sst s1  }
0xa: {  	[smem:$0x3FB0] =	sst s2  }
0xb: {  	[smem:$0x3FB1] =	sst s3  }
0xc: {  	[smem:$0x3FB2] =	sst s4  }
0xd: {  	[smem:$0x3FB3] =	sst s5  }
0xe: {  	[smem:$0x3FB4] =	sst s6  }
0xf: {  	[smem:$0x3FB5] =	sst s7  }
0x10: {  	[smem:$0x3FB6] =	sst s8  }
0x11: {  	[smem:$0x3FB7] =	sst s9;
	s0 =	simm.s32 @!p0 $0x0  }
0x12: {  	s1 =	sld [smem:$0x3F9D];
	s0 =	simm.s32 @p0 $0x1  }
0x13: {  	[smem:$0x3FB8] =	sst s0;
	s0 =	simm.s32 @!p1 $0x0  }
0x14: {  	s2 =	sld [smem:$0x3F9C];
	s0 =	simm.s32 @p1 $0x1  }
0x15: {  	[smem:$0x3FB9] =	sst s0;
	s0 =	simm.s32 @!p2 $0x0  }
0x16: {  	s3 =	sld [smem:$0x3FDB];
	s0 =	simm.s32 @p2 $0x1  }
0x17: {  	s4 =	simm.s32 $0x1BF5;
	[smem:$0x3FBB] =	sst s0  }
0x18: {  	s0 =	sld [smem:$0x3F9E];
	_ =	swait.ge [sflag:s4], $0x0  }
0x19: {  	s7 =	sld [smem:$0x3F9F]  }
0x1a: {  	s8 =	sadd.s32 $0xFFFFE003, lr  }
0x1b: {  	s9 =	sadd.s32 $0xFFFFFEF7, lr;
	s5 =	simm.s32 $0xFFFFFFFF;
	p2 =	slt.u32 s8, $0xFFFFF086  }
0x1c: {  	p1 =	slt.u32 s9, $0xF7A;
	s5 =	simm.s32 @!p2 $0x0  }
0x1d: {  	s5 =	simm.s32 @p1 $0x1;
	p0 =	seq.s32 s7, s2  }
0x1e: {  	s7 =	smul.u32 @!p0 $0xF7A, s2;
	p2 =	seq.s32 @!p0 s5, $0x0  }
0x1f: {  	s9 =	smul.u32 $0xF7A, s1;
	s8 =	simm.s32 @!p0 $0x1BF5;
	p2 =	por !p2, p0  }
0x20: {  	[sflag:s8] =	ssyncset.s32 @!p0 $0xFFFFF086;
	s6 =	sadd.s32 @!p0 s3, s7;
	s7 =	simm.s32 @!p0 $0x108  }
0x21: {  	s3 =	sadd.s32 s3, s9;
	s6 =	sadd.s32 @!p0 $0x88, s6;
	s7 =	simm.s32 @p2 $0x1082  }
0x22: {  	[simem:s7], [sflag:s8] =	dma.local @!p0 [hbm:s6], $0xF7A  }
0x23: {  	s9 =	sor.u32 $0xD0000000, s2;
	s6 =	simm.s32 $0x108;
	_ =	swait.ge @!p0 [sflag:s8], $0x0  }
0x24: {  	s3 =	sadd.s32 $0x88, s3;
	s6 =	simm.s32 @!p1 $0x1082;
	[sflag:s4] =	ssyncset.s32 $0xFFFFF086  }
0x25: {  	[simem:s6], [sflag:s4] =	dma.local [hbm:s3], $0xF7A  }
0x26: {  	[smem:$0x3F9F] =	sst s1;
	(tag) =	ssettag s2;
	_ =	strace s9  }
0x27: {  	s1 =	sld [smem:$0x3FAF]  }
0x28: {  	s2 =	sld [smem:$0x3FB0]  }
0x29: {  	s4 =	sld [smem:$0x3FB2]  }
0x2a: {  	p0 =	seq.s32 s5, $0x0;
	s5 =	sld [smem:$0x3FB3]  }
0x2b: {  	s6 =	sld [smem:$0x3FB4]  }
0x2c: {  	s7 =	sld [smem:$0x3FB5]  }
0x2d: {  	s3 =	simm.s32 $0x108;
	s8 =	sld [smem:$0x3FB6]  }
0x2e: {  	s3 =	simm.s32 @!p0 $0x1082;
	s9 =	sld [smem:$0x3FB7]  }
0x2f: {  	lr =	sadd.s32 s0, s3;
	s0 =	sld [smem:$0x3FAE]  }
0x30: {  	s3 =	sld [smem:$0x3FB1]  }
0x31: {  	[smem:$0x3FBA] =	sst s10  }
0x32: {  	s10 =	sld [smem:$0x3FB8];
	_ =	sdelay $0x3  }
0x33: {  	p0 =	seq.s32 s10, $0x1;
	s10 =	sld [smem:$0x3FBA];
	_ =	sdelay $0x3  }
0x34: {  	[smem:$0x3FBA] =	sst s10  }
0x35: {  	s10 =	sld [smem:$0x3FB9];
	_ =	sdelay $0x3  }
0x36: {  	p1 =	seq.s32 s10, $0x1;
	s10 =	sld [smem:$0x3FBA];
	_ =	sdelay $0x3  }
0x37: {  	[smem:$0x3FBA] =	sst s10  }
0x38: {  	s10 =	sld [smem:$0x3FBB]  }
0x39: {  	_ = 	snop;
	(pc) =	sbr.ind lr, $3  }
0x3a: {  	_ = 	snop  }
0x3b: {  	_ = 	snop  }
0x3c: {  	p2 =	seq.s32 s10, $0x1;
	s10 =	sld [smem:$0x3FBA]  }
0x3d: {  	_ =	shalt  }
0x3e: {  	_ =	shalt  }
0x3f: {  	_ =	shalt  }
0x40: {  	_ =	shalt  }
0x41: {  	_ =	shalt  }
0x42: {  	_ =	shalt  }
0x43: {  	_ =	shalt  }
0x44: {  	_ =	shalt  }
0x45: {  	_ =	shalt  }
0x46: {  	_ =	shalt  }
0x47: {  	_ =	shalt  }
0x48: {  	_ =	shalt  }
0x49: {  	_ =	shalt  }
0x4a: {  	_ =	shalt  }
0x4b: {  	_ =	shalt  }
0x4c: {  	_ =	shalt  }
0x4d: {  	_ =	shalt  }
0x4e: {  	_ =	shalt  }
0x4f: {  	_ =	shalt  }
0x50: {  	_ =	shalt  }
0x51: {  	_ =	shalt  }
0x52: {  	_ =	shalt  }
0x53: {  	_ =	shalt  }
0x54: {  	_ =	shalt  }
0x55: {  	_ =	shalt  }
0x56: {  	_ =	shalt  }
0x57: {  	_ =	shalt  }
0x58: {  	_ =	shalt  }
0x59: {  	_ =	shalt  }
0x5a: {  	_ =	shalt  }
0x5b: {  	_ =	shalt  }
0x5c: {  	_ =	shalt  }
0x5d: {  	_ =	shalt  }
0x5e: {  	_ =	shalt  }
0x5f: {  	_ =	shalt  }
0x60: {  	_ =	shalt  }
0x61: {  	_ =	shalt  }
0x62: {  	_ =	shalt  }
0x63: {  	_ =	shalt  }
0x64: {  	_ =	shalt  }
0x65: {  	_ =	shalt  }
0x66: {  	_ =	shalt  }
0x67: {  	_ =	shalt  }
0x68: {  	_ =	shalt  }
0x69: {  	_ =	shalt  }
0x6a: {  	_ =	shalt  }
0x6b: {  	_ =	shalt  }
0x6c: {  	_ =	shalt  }
0x6d: {  	_ =	shalt  }
0x6e: {  	_ =	shalt  }
0x6f: {  	_ =	shalt  }
0x70: {  	_ =	shalt  }
0x71: {  	_ =	shalt  }
0x72: {  	_ =	shalt  }
0x73: {  	_ =	shalt  }
0x74: {  	_ =	shalt  }
0x75: {  	_ =	shalt  }
0x76: {  	_ =	shalt  }
0x77: {  	_ =	shalt  }
0x78: {  	_ =	shalt  }
0x79: {  	_ =	shalt  }
0x7a: {  	_ =	shalt  }
0x7b: {  	_ =	shalt  }
0x7c: {  	_ =	shalt  }
0x7d: {  	_ =	shalt  }
0x7e: {  	_ =	shalt  }
0x7f: {  	_ =	shalt  }
0x80: {  	_ =	shalt  }
0x81: {  	_ =	shalt  }
0x82: {  	_ =	shalt  }
0x83: {  	_ =	shalt  }
0x84: {  	_ =	shalt  }
0x85: {  	_ =	shalt  }
0x86: {  	_ =	shalt  }
0x87: {  	_ =	shalt  }
.Lfunc_end0:
.L_simem_size_0:
called_computation_lowered:
.L_overlay_start_0:
0x88: {  	s2 =	sld [smem:$0x3FD9]  }
0x89: {  	s3 =	sld [smem:$0x3FFE];
	_ =	sdelay $0x1  }
0x8a: {  	s1 =	srdreg.scid  }
0x8b: {  	s0 =	sand.u32 $0x1, s1  }
0x8c: {  	s18 =	sshll.u32 s0, $0xA;
	s2 =	sadd.s32 s3, s2  }
0x8d: {  	s2 =	sadd.s32 s2, s18  }
0x8e: {  	[smem:$0x3FC6] =	sst s2  }
0x8f: {  	_ = 	snop  }
0x90: {  	s2 =	sld [smem:$0x3FC9]  }
0x91: {  	s19 =	sld [smem:$0x3FC8]  }
0x92: {  	s4 =	sld [smem:$0x3FD0];
	(tm) =	ssettm $0x1  }
0x93: {  	s5 =	sld [smem:$0x3FFB];
	_ =	sdelay $0x3  }
0x94: {  	_ =	strace s5  }
0x95: {  	s5 =	sld [smem:$0x3FFC];
	_ =	sdelay $0x3  }
0x96: {  	_ =	strace s5  }
0x97: {  	s5 =	sld [smem:$0x3FFD];
	_ =	sdelay $0x3  }
0x98: {  	_ =	strace s5  }
0x99: {  	_ =	strace $0x8FFFFFFF  }
0x9a: {  	s20 =	sld [smem:$0x3FDB];
	_ =	sdelay $0x1  }
0x9b: {  	s6 =	simm.s32 $_scs_section_size  }
0x9c: {  	s7 =	simm.s32 $_size__tile_overlayer_lowered;
	s8 =	simm.s32 $_tile_overlayer_lowered  }
0x9d: {  	s23 =	simm.s32 $0x1BFF;
	s22 =	sshll.u32 s8, $0x1;
	s5 =	sadd.s32 s6, s20  }
0x9e: {  	s9 =	simm.s32 $0x0;
	s21 =	sshll.u32 s7, $0x1;
	s7 =	sadd.s32 s22, s5  }
0x9f: {  	[timem:s9], [sflag:s23] =	dma.local [hbm:s7], s21  }
0xa0: {  	_ =	swait.ge [sflag:s23], s21  }
0xa1: {  	s6 =	ssub.s32 $0x0, s21;
	[sflag:s23] =	ssyncset.done $0x0  }
0xa2: {  	[sflag:s23] =	ssyncadd.s32 s6;
	_ =	sdelay $0x1  }
0xa3: {  	s24 =	simm.s32 $0x1B8B  }
0xa4: {  	_ =	swait.ge [sflag:s24], $0x1  }
0xa5: {  	[sflag:s24] =	ssyncset.done $0x0  }
0xa6: {  	s25 =	simm.s32 $0x1B8E;
	[sflag:s24] =	ssyncadd.s32 $0xFFFFFFFF  }
0xa7: {  	s26 =	simm.s32 $execute0_lowered;
	[smem:$0x3FD2] =	sst s25  }
0xa8: {  	s6 =	sshll.u32 s26, $0x1;
	_ =	strace $0x80000046;
	[dreg:$0x1] =	wrdreg $0xFFFFFFFF  }
0xa9: {  	s28 =	simm.s32 $_size_execute0_lowered;
	s5 =	sadd.s32 s5, s6;
	[dreg:$0x0] =	wrdreg $0x0  }
0xaa: {  	s6 =	sshll.u32 s28, $0x1;
	[dreg:$0x2] =	wrdreg s5  }
0xab: {  	[dreg:$0x3] =	wrdreg s6  }
0xac: {  	[dreg:$0x4] =	wrdreg $0xC0  }
0xad: {  	_ =	task [dreg:s9], $0x5FFFF  }
0xae: {  	[dreg:$0x1] =	wrdreg $0xFFFFFFFF  }
0xaf: {  	[dreg:$0x0] =	wrdreg $0x60  }
0xb0: {  	[dreg:$0x2] =	wrdreg s2  }
0xb1: {  	[dreg:$0x3] =	wrdreg s19  }
0xb2: {  	[dreg:$0x4] =	wrdreg s4  }
0xb3: {  	[dreg:$0x5] =	wrdreg $0x2000  }
0xb4: {  	[dreg:$0x6] =	wrdreg $0x9  }
0xb5: {  	_ =	task.clear_ibuf [dreg:s9], $0x7FFFF;
	_ =	strace $0x90000046  }
0xb6: {  	s29 =	simm.s32 $0x9;
	_ =	strace $0x80000048  }
0xb7: {  	_ =	swait.ge [sflag:s29], $0x1  }
0xb8: {  	[sflag:s29] =	ssyncadd.s32 $0xFFFFFFFF  }
0xb9: {  	_ =	strace $0x90000048  }
0xba: {  	_ =	sfence  }
0xbb: {  	s30 =	sld [smem:$0x0];
	_ =	sdelay $0x2  }
0xbc: {  	s31 =	sshll.u32 s1, $0xD;
	s1 =	sshrl.u32 s1, $0x2  }
0xbd: {  	s3 =	sand.u32 $0x4000, s31;
	s1 =	sadd.s32 s1, s30  }
0xbe: {  	s0 =	sor.u32 s3, s0;
	s1 =	sshll.u32 s1, $0x11  }
0xbf: {  	s0 =	sor.u32 s1, s0  }
0xc0: {  	s0 =	sadd.s32 $0x8F2B, s0  }
0xc1: {  	[sflag:s0] =	ssyncadd.remote.s32 $0x1  }
0xc2: {  	_ =	sfence.sel $0xFFFF  }
0xc3: {  	[dreg:$0x0] =	wrdreg $0xFFFFFFFF;
	(pc) =	sbr.abs _section_cstart, $3  }
0xc4: {  	[dreg:$0x1] =	wrdreg $0xFFFFFFFF  }
0xc5: {  	_ =	task.clear_ibuf [dreg:s9], $0x2FFFF;
	_ =	strace $0x9FFFFFFF  }
0xc6: {  	(tm) =	ssettm $0x7FFFFFFF  }
0xc7: {  	_ =	shalt  }
tec
execute0_lowered:
.L_overlay_start_1:
0x0: {  	(tag) =	ssettag $0x1  }
0x1: {  	s0 =	rddreg [dreg:$0x0]  }
0x2: {  	s1 =	rddreg [dreg:$0x2]  }
0x3: {  	s2 =	rddreg [dreg:$0x3]  }
0x4: {  	s3 =	srdreg.scid;
	s10 =	stileid.u32;
	s13 =	simm.s32 $0x8  }
0x5: {  	s14 =	simm.s32 $0x20;
	s15 =	simm.s32 $0x848;
	s16 =	simm.s32 $0x60  }
0x6: {  	s17 =	simm.s32 $0x1848;
	s18 =	simm.s32 $0x80;
	s19 =	simm.s32 $0x4848  }
0x7: {  	s21 =	simm.s32 $0x8848;
	s23 =	simm.s32 $0xC848;
	s25 =	simm.s32 $0xF848  }
0x8: {  	s28 =	simm.s32 $0x2;
	s29 =	simm.s32 $0x3;
	s30 =	simm.s32 $0x4  }
0x9: {  	s31 =	simm.s32 $0x5;
	s20 =	simm.s32 $0x0;
	s4 =	sand.u32 $0x1, s3  }
0xa: {  	s3 =	simm.s32 $0x0;
	s5 =	sshll.u32 s10, $0xA;
	p0 =	sne.s32 s10, $0x0  }
0xb: {  	s6 =	sshll.u32 s4, $0x9;
	[smem:$0x7FF] =	sst s3;
	s4 =	ssub.s32 $0x2, s4  }
0xc: {  	s12 =	sshrl.u32 @!p0 s2, $0x3;
	s5 =	sor.u32 s6, s5;
	s26 =	sshrl.u32 s4, $0x1  }
0xd: {  	_ =	strace $0x80000047;
	s7 =	sshll.u32 s5, $0x4;
	s11 =	ssub.s32 s4, s26  }
0xe: {  	s5 =	sshrl.u32 s5, $0x3;
	s26 =	simm.s32 $0x1;
	s4 =	sadd.s32 s1, s7  }
0xf: {  	s5 =	sadd.s32 s0, s5;
	s11 =	smax.u32 s11, $0x1;
	s0 =	simm.s32 $0x6  }
0x10: {  	s1 =	simm.s32 $0x7;
	s6 =	sadd.s32 $0x200, s4;
	s7 =	sadd.s32 $0x800, s4  }
0x11: {  	s8 =	sadd.s32 $0x1000, s4;
	s9 =	sadd.s32 $0x1800, s4;
	s10 =	sadd.s32 $0x1E00, s4  }
.LBB2_1:
0x12: {  	s22 =	simm.s32 @!p0 $0x1C08;
	s24 =	rddreg [dreg:$0x1]  }
0x13: {  	[spmem:s12], [sflag:s22] =	dma.local @!p0 [hbm:s24], $0xC90  }
0x14: {  	s22 =	simm.s32 @!p0 $0x8  }
0x15: {  	_ =	swait.ge @!p0 [sflag:s22], $0xC90  }
0x16: {  	[sflag:s22] =	ssyncset.done @!p0 $0x0  }
0x17: {  	[sflag:s22] =	ssyncadd.s32 @!p0 $0xFFFFF370  }
0x18: {  	[tilespmem:s3], [sflag:$0x8] =	stream.linear.gather [hbm4b:s5+s3], $0x200, $0x38;
	[tilespmem:$0x10848] =	vst v63  }
0x19: {  	_ =	swait.ge [sflag:s13], $0x200  }
0x1a: {  	[sflag:s13] =	ssyncset.done $0x0  }
0x1b: {  	s24 =	simm.s32 $0x40;
	s22 =	simm.s32 $0x0;
	[sflag:s13] =	ssyncadd.s32 $0xFFFFFE00  }
.LBB2_2:
0x1c: {  	p1 =	sne.s32 s24, $0x7C0;
	v0 =	vld [tilespmem:s22+$0x0];
	_ =	sdelay $0x1  }
.Ltmp0:
0x1d: {  	(pc) =	sbr.rel @p1 .LBB2_2-.Ltmp0, $3  }
0x1e: {  	_ =	sdelay $0x1  }
0x1f: {  	v0 =	vadd.s32 $0x64, v0  }
0x20: {  	[tilespmem:s22+$0x0] =	vst v0;
	s22 =	sshra.s32 s24, $0x2;
	s24 =	sadd.s32 $0x40, s24  }
0x21: {  	v0 =	vld [tilespmem:s22+$0x0];
	_ =	sdelay $0x4  }
0x22: {  	v0 =	vadd.s32 $0x64, v0  }
0x23: {  	[tilespmem:s22+$0x0] =	vst v0  }
0x24: {  	[bflag:$0x0] =	sbarrier.arrive $0xFFFF  }
0x25: {  	[tilespmem:s15], [sflag:$0x1] =	stream.indirect.gather [spmem:s2], $0x80, s3, s14, $0xb8;
	[tilespmem:$0x10848] =	vst v63  }
0x26: {  	_ = 	snop  }
0x27: {  	[tilespmem:s17], [sflag:$0x2] =	stream.indirect.gather [spmem:s2], $0x80, s14, s16, $0xb8;
	[tilespmem:$0x10848] =	vst v63  }
0x28: {  	_ = 	snop  }
0x29: {  	[tilespmem:s19], [sflag:$0x3] =	stream.indirect.gather [spmem:s2], $0x80, s18, s18, $0xb8;
	[tilespmem:$0x10848] =	vst v63  }
0x2a: {  	s24 =	simm.s32 $0x100  }
0x2b: {  	[tilespmem:s21], [sflag:$0x4] =	stream.indirect.gather [spmem:s2], $0x80, s24, s18, $0xb8;
	[tilespmem:$0x10848] =	vst v63  }
0x2c: {  	s24 =	simm.s32 $0x180  }
0x2d: {  	[tilespmem:s23], [sflag:$0x5] =	stream.indirect.gather [spmem:s2], $0x80, s24, s16, $0xb8;
	[tilespmem:$0x10848] =	vst v63  }
0x2e: {  	s24 =	simm.s32 $0x1E0  }
0x2f: {  	[tilespmem:s25], [sflag:$0x6] =	stream.indirect.gather [spmem:s2], $0x80, s24, s14, $0xb8;
	[tilespmem:$0x10848] =	vst v63  }
0x30: {  	_ =	swait.ge [sflag:s26], $0x1000  }
0x31: {  	[sflag:s26] =	ssyncset.done $0x0  }
0x32: {  	[sflag:s26] =	ssyncadd.s32 $0xFFFFF000  }
0x33: {  	[hbm4b:s4+s3] =	stream.linear.scatter [tilespmem:s15], [sflag:$0x7], $0x1000, $0x38;
	[tilespmem:$0x10848] =	vst v63  }
0x34: {  	_ =	swait.ge [sflag:s28], $0x3000  }
0x35: {  	[sflag:s28] =	ssyncset.done $0x0  }
0x36: {  	[sflag:s28] =	ssyncadd.s32 $0xFFFFD000  }
0x37: {  	[hbm4b:s6+s3] =	stream.linear.scatter [tilespmem:s17], [sflag:$0x7], $0x3000, $0x38;
	[tilespmem:$0x10848] =	vst v63  }
0x38: {  	_ =	swait.ge [sflag:s29], $0x4000  }
0x39: {  	[sflag:s29] =	ssyncset.done $0x0  }
0x3a: {  	[sflag:s29] =	ssyncadd.s32 $0xFFFFC000  }
0x3b: {  	[hbm4b:s7+s3] =	stream.linear.scatter [tilespmem:s19], [sflag:$0x7], $0x4000, $0x38;
	[tilespmem:$0x10848] =	vst v63  }
0x3c: {  	_ =	swait.ge [sflag:s30], $0x4000  }
0x3d: {  	[sflag:s30] =	ssyncset.done $0x0  }
0x3e: {  	[sflag:s30] =	ssyncadd.s32 $0xFFFFC000  }
0x3f: {  	[hbm4b:s8+s3] =	stream.linear.scatter [tilespmem:s21], [sflag:$0x7], $0x4000, $0x38;
	[tilespmem:$0x10848] =	vst v63  }
0x40: {  	_ =	swait.ge [sflag:s31], $0x3000  }
0x41: {  	[sflag:s31] =	ssyncset.done $0x0  }
0x42: {  	[sflag:s31] =	ssyncadd.s32 $0xFFFFD000  }
0x43: {  	[hbm4b:s9+s3] =	stream.linear.scatter [tilespmem:s23], [sflag:$0x7], $0x3000, $0x38;
	[tilespmem:$0x10848] =	vst v63  }
0x44: {  	_ =	swait.ge [sflag:s0], $0x1000  }
0x45: {  	[sflag:s0] =	ssyncset.done $0x0  }
0x46: {  	[sflag:s0] =	ssyncadd.s32 $0xFFFFF000  }
0x47: {  	[hbm4b:s10+s3] =	stream.linear.scatter [tilespmem:s25], [sflag:$0x7], $0x1000, $0x38;
	[tilespmem:$0x10848] =	vst v63  }
0x48: {  	_ =	swait.ge [sflag:s1], $0x1000  }
0x49: {  	[sflag:s1] =	ssyncset.done $0x0  }
0x4a: {  	[sflag:s1] =	ssyncadd.s32 $0xFFFFF000  }
0x4b: {  	_ =	swait.ge [sflag:s1], $0x3000  }
0x4c: {  	[sflag:s1] =	ssyncset.done $0x0  }
0x4d: {  	[sflag:s1] =	ssyncadd.s32 $0xFFFFD000  }
0x4e: {  	_ =	swait.ge [sflag:s1], $0x4000  }
0x4f: {  	[sflag:s1] =	ssyncset.done $0x0  }
0x50: {  	[sflag:s1] =	ssyncadd.s32 $0xFFFFC000  }
0x51: {  	_ =	swait.ge [sflag:s1], $0x4000  }
0x52: {  	[sflag:s1] =	ssyncset.done $0x0  }
0x53: {  	s20 =	sadd.s32 $0x1, s20;
	[sflag:s1] =	ssyncadd.s32 $0xFFFFC000  }
0x54: {  	p1 =	sne.s32 s20, s11;
	_ =	swait.ge [sflag:s1], $0x3000  }
.Ltmp1:
0x55: {  	[sflag:s1] =	ssyncset.done $0x0;
	(pc) =	sbr.rel @p1 .LBB2_1-.Ltmp1, $4  }
0x56: {  	[sflag:s1] =	ssyncadd.s32 $0xFFFFD000  }
0x57: {  	_ =	swait.ge [sflag:s1], $0x1000  }
0x58: {  	[sflag:s1] =	ssyncset.done $0x0  }
0x59: {  	[sflag:s1] =	ssyncadd.s32 $0xFFFFF000  }
0x5a: {  	_ =	sfence.sel $0x180000  }
0x5b: {  	[bflag:$0x0] =	sbarrier.arrive $0xFFFF  }
0x5c: {  	_ =	strace $0x90000047  }
0x5d: {  	[bflag:$0x2] =	sbarrier.arrive $0xFFFF  }
0x5e: {  	s0 =	rddreg [dreg:$0x4]  }
0x5f: {  	s0 =	sadd.s32 @!p0 $0x100000, s0  }
0x60: {  	[sflag:s0] =	ssyncadd.tile.s32 @!p0 $0x1;
	_ =	shalt  }
.Lfunc_end2:
_tile_overlayer_lowered:
.L_overlay_start_2:
0x61: {  	(tag) =	ssettag $0x2  }
0x62: {  	s0 =	rddreg [dreg:$0x0];
	s2 =	stileid.u32  }
0x63: {  	s1 =	rddreg [dreg:$0x1];
	p0 =	sne.s32 s2, $0x0  }
0x64: {  	s3 =	rddreg [dreg:$0x2];
	[bflag:$0x3] =	sbarrier.arrive $0xFFFF;
	s2 =	simm.s32 @!p0 $0x1C08  }
0x65: {  	[timem:s3], [sflag:s2] =	dma.local @!p0 [hbm:s0], s1  }
0x66: {  	s0 =	simm.s32 @!p0 $0x8  }
0x67: {  	_ =	swait.ge @!p0 [sflag:s0], s1  }
0x68: {  	s1 =	ssub.s32 @!p0 $0x0, s1;
	[sflag:s0] =	ssyncset.done @!p0 $0x0  }
0x69: {  	[sflag:s0] =	ssyncadd.s32 @!p0 s1  }
0x6a: {  	[bflag:$0x3] =	sbarrier.arrive $0xFFFF  }
0x6b: {  	_ =	shalt  }

</sc_bundles>
